<compile_context>
chip_gen: v7x
topology: tpu7x:2x2x1
jax: 0.10.2.dev20260603
libtpu: 0.0.44.dev20260713+nightly
codegen_flags: <defaults>
</compile_context>

<pallas_src>
import functools

import jax
import jax.numpy as jnp
from jax import lax
from jax.experimental import pallas as pl
from jax.experimental.pallas import tpu as pltpu
from jax.experimental.pallas import tpu_sc as plsc

N = 10000
C = 128
K = 27
E = 11852
E_TOT = K * E

NC = 2
NS = 16
NW = NC * NS
CB = 128
CHUNKS = -(-E_TOT // (NW * CB))
E_PAD = NW * CHUNKS * CB
ACC_ROWS = 10240
RPT = ACC_ROWS // NS


def _gemm_body(feat_ref, w_ref, y_ref):
    y_ref[0] = jnp.dot(feat_ref[...], w_ref[0],
                       preferred_element_type=jnp.float32)


def _node_gemm(feat, w):
    mb = 2000
    return pl.pallas_call(
        _gemm_body,
        grid=(K, N // mb),
        in_specs=[
            pl.BlockSpec((mb, C), lambda k, m: (m, 0)),
            pl.BlockSpec((1, C, C), lambda k, m: (k, 0, 0)),
        ],
        out_specs=pl.BlockSpec((1, mb, C), lambda k, m: (k, m, 0)),
        out_shape=jax.ShapeDtypeStruct((K, N, C), jnp.float32),
    )(feat, w)


def _scatter_body(y_hbm, src_hbm, tgt_hbm, zero_hbm, parts_hbm,
                  acc, src_v, tgt_v, rows_v, sem):
    c = lax.axis_index("c")
    s = lax.axis_index("s")
    wid = c * NS + s
    pltpu.sync_copy(zero_hbm.at[pl.ds(s * RPT, RPT)],
                    acc.at[pl.ds(s * RPT, RPT)])
    pltpu.sync_copy(src_hbm.at[wid], src_v)
    pltpu.sync_copy(tgt_hbm.at[wid], tgt_v)
    plsc.subcore_barrier()

    @pl.loop(0, CHUNKS)
    def _chunk(j):
        pltpu.async_copy(y_hbm.at[src_v.at[j]], rows_v, sem).wait()
        pltpu.sync_copy(rows_v, acc.at[tgt_v.at[j]], add=True)

    plsc.subcore_barrier()
    pltpu.sync_copy(acc.at[pl.ds(s * RPT, RPT)],
                    parts_hbm.at[c, pl.ds(s * RPT, RPT)])


_scatter_kernel = functools.partial(
    pl.kernel,
    out_type=jax.ShapeDtypeStruct((NC, ACC_ROWS, C), jnp.float32),
    mesh=plsc.VectorSubcoreMesh(core_axis_name="c", subcore_axis_name="s"),
    scratch_types=[
        pltpu.VMEM_SHARED((ACC_ROWS, C), jnp.float32),
        pltpu.VMEM((CHUNKS, CB), jnp.int32),
        pltpu.VMEM((CHUNKS, CB), jnp.int32),
        pltpu.VMEM((CB, C), jnp.float32),
        pltpu.SemaphoreType.DMA,
    ],
)(_scatter_body)


def _add_body(p0_ref, p1_ref, o_ref):
    o_ref[...] = p0_ref[0] + p1_ref[0]


def _sum_parts(parts):
    mb = 2000
    return pl.pallas_call(
        _add_body,
        grid=(N // mb,),
        in_specs=[
            pl.BlockSpec((1, mb, C), lambda m: (0, m, 0)),
            pl.BlockSpec((1, mb, C), lambda m: (1, m, 0)),
        ],
        out_specs=pl.BlockSpec((mb, C), lambda m: (m, 0)),
        out_shape=jax.ShapeDtypeStruct((N, C), jnp.float32),
    )(parts, parts)


def kernel(feat, kernel, src_ids, tgt_ids, feat_depth):
    src32 = (src_ids.astype(jnp.int32)
             + (jnp.arange(K, dtype=jnp.int32) * N)[:, None]).reshape(-1)
    tgt32 = tgt_ids.astype(jnp.int32).reshape(-1)
    pad = E_PAD - E_TOT
    src_w = jnp.concatenate(
        [src32, jnp.zeros((pad,), jnp.int32)]).reshape(NW, CHUNKS, CB)
    tgt_w = jnp.concatenate(
        [tgt32, jnp.full((pad,), N, jnp.int32)]).reshape(NW, CHUNKS, CB)

    y = _node_gemm(feat, kernel).reshape(K * N, C)
    zeros = jnp.zeros((ACC_ROWS, C), jnp.float32)
    parts = _scatter_kernel(y, src_w, tgt_w, zeros)
    out = _sum_parts(parts)
    return (out, feat_depth)

# --- scband reference (transcript-rebuilt; emitter-appended) ---
"""Pipeline reference for scband-conv3d-31739808317553 (READ-ONLY COPY).

The authoritative reference and input builder live on the scoring server;
editing this copy changes nothing except your own understanding.
"""

import jax, jax.numpy as jnp
import numpy as np
import math

IN_CH = 128
OUT_CH = 128
KVOL = 27
N_NODES = 10000
E_PER = 11852

def setup_inputs(seed: int = 0) -> dict:
    key = jax.random.key(seed)
    k1, k2, k3, k4 = jax.random.split(key, 4)
    feat = jax.random.normal(k1, (N_NODES, IN_CH), dtype=jnp.float32)
    src_ids = jax.random.randint(k2, (KVOL, E_PER), 0, N_NODES, dtype=jnp.int64)
    tgt_ids = jax.random.randint(k3, (KVOL, E_PER), 0, N_NODES, dtype=jnp.int64)
    std = 1.0 / math.sqrt(IN_CH * KVOL)
    kernel = jax.random.uniform(k4, (KVOL, IN_CH, OUT_CH), dtype=jnp.float32, minval=-std, maxval=std)
    feat_depth = 4
    return {"feat": feat, "kernel": kernel, "src_ids": src_ids, "tgt_ids": tgt_ids, "feat_depth": feat_depth}

def reference(feat, kernel, src_ids, tgt_ids, feat_depth):
    # Sparse 3D convolution (stride=1, kernel_size=3, kernel_volume=27) as
    # gather -> per-offset GEMM -> scatter-add, faithful to ConvolutionFunction.
    # Neighbor maps (nbmaps) are pre-split per kernel offset (nbsizes all equal).
    n_out = feat.shape[0]  # stride=1: output coords == input coords
    out = jnp.zeros((n_out, kernel.shape[2]), dtype=feat.dtype)
    for k in range(KVOL):
        gathered = jnp.take(feat, src_ids[k], axis=0)          # [E_per, C_in]
        contrib = gathered @ kernel[k]                          # [E_per, C_out]
        out = out.at[tgt_ids[k]].add(contrib)                   # scatter-add
    output_depth = feat_depth  # stride == 1 keeps the same tree depth
    return (out, output_depth)

if __name__ == "__main__":
    import jax
    _d = setup_inputs()
    print(jax.jit(kernel)(*tuple(_d.values())))

</pallas_src>

<mosaic_0001>
#map = affine_map<(d0, d1) -> (0, 0)>
#map1 = affine_map<(d0, d1) -> (0, 0, 0)>
module attributes {stable_mosaic.version = 14 : i64} {
  func.func @_scatter_body(%arg0: i32, %arg1: i32, %arg2: memref<270000x128xf32, #tpu.memory_space<hbm>>, %arg3: memref<32x79x128xi32, #tpu.memory_space<hbm>>, %arg4: memref<32x79x128xi32, #tpu.memory_space<hbm>>, %arg5: memref<10240x128xf32, #tpu.memory_space<hbm>>, %arg6: memref<2x10240x128xf32, #tpu.memory_space<hbm>>, %arg7: memref<10240x128xf32, #tpu.memory_space<vmem_shared>>, %arg8: memref<79x128xi32, #tpu.memory_space<vmem>>, %arg9: memref<79x128xi32, #tpu.memory_space<vmem>>, %arg10: memref<128x128xf32, #tpu.memory_space<vmem>>, %arg11: memref<!tpu.dma_semaphore, #tpu.memory_space<semaphore_mem>>) attributes {dimension_semantics = [#tpu.dimension_semantics<core_parallel>, #tpu.dimension_semantics<subcore_parallel>], iteration_bounds = array<i64: 2, 16>, scalar_prefetch = 0 : i64, scratch_operands = 5 : i64, tpu.core_type = #tpu.core_type<sc_vector_subcore>, window_params = [{transform_indices = #map}, {transform_indices = #map1}, {transform_indices = #map1}, {transform_indices = #map}, {transform_indices = #map1}]} {
    %mul3A = arith.constant 16 : i32
    %mul3A_0 = arith.muli %arg0, %mul3A : i32
    %add3A = arith.addi %mul3A_0, %arg1 : i32
    %mul3A_1 = arith.constant 640 : i32
    %mul3A_2 = arith.muli %arg1, %mul3A_1 : i32
    %mul3A_3 = arith.constant 640 : i32
    %mul3A_4 = arith.muli %arg1, %mul3A_3 : i32
    "tpu.region"() ({
      %run_scoped3A = tpu.sem_alloc : memref<!tpu.dma_semaphore, #tpu.memory_space<semaphore_mem>>
      %dma_start3A = arith.constant 0 : i32
      %dma_start3A_14 = tpu.memref_slice %arg7[%mul3A_4, %dma_start3A] : memref<10240x128xf32, #tpu.memory_space<vmem_shared>> -> memref<640x128xf32, #tpu.memory_space<vmem_shared>>
      %dma_start3A_15 = arith.constant 0 : i32
      %dma_start3A_16 = tpu.memref_slice %arg5[%mul3A_2, %dma_start3A_15] : memref<10240x128xf32, #tpu.memory_space<hbm>> -> memref<640x128xf32, #tpu.memory_space<hbm>>
      tpu.enqueue_dma source(%dma_start3A_16 : memref<640x128xf32, #tpu.memory_space<hbm>>) target(%dma_start3A_14 : memref<640x128xf32, #tpu.memory_space<vmem_shared>>) target_semaphore(%run_scoped3A : memref<!tpu.dma_semaphore, #tpu.memory_space<semaphore_mem>>)
      %dma_wait3A = arith.constant 0 : i32
      %dma_wait3A_17 = tpu.memref_slice %arg7[%mul3A_4, %dma_wait3A] : memref<10240x128xf32, #tpu.memory_space<vmem_shared>> -> memref<640x128xf32, #tpu.memory_space<vmem_shared>>
      %dma_wait3A_18 = arith.constant 0 : i32
      %dma_wait3A_19 = tpu.memref_slice %arg5[%mul3A_2, %dma_wait3A_18] : memref<10240x128xf32, #tpu.memory_space<hbm>> -> memref<640x128xf32, #tpu.memory_space<hbm>>
      tpu.wait_dma2 semaphore(%run_scoped3A : memref<!tpu.dma_semaphore, #tpu.memory_space<semaphore_mem>>) src(%dma_wait3A_19 : memref<640x128xf32, #tpu.memory_space<hbm>>) dst(%dma_wait3A_17 : memref<640x128xf32, #tpu.memory_space<vmem_shared>>)
      tpu.yield
    }) : () -> ()
    "tpu.region"() ({
      %run_scoped3A = tpu.sem_alloc : memref<!tpu.dma_semaphore, #tpu.memory_space<semaphore_mem>>
      %dma_start3A = arith.constant 0 : i32
      %dma_start3A_14 = arith.constant 0 : i32
      %dma_start3A_15 = tpu.memref_slice %arg3[%add3A, %dma_start3A, %dma_start3A_14] : memref<32x79x128xi32, #tpu.memory_space<hbm>> -> memref<1x79x128xi32, #tpu.memory_space<hbm>>
      %dma_start3A_16 = tpu.memref_squeeze %dma_start3A_15 : memref<1x79x128xi32, #tpu.memory_space<hbm>> -> memref<79x128xi32, #tpu.memory_space<hbm>>
      %dma_start3A_17 = arith.constant 0 : i32
      %dma_start3A_18 = arith.constant 0 : i32
      %dma_start3A_19 = tpu.memref_slice %arg3[%add3A, %dma_start3A_17, %dma_start3A_18] : memref<32x79x128xi32, #tpu.memory_space<hbm>> -> memref<1x79x128xi32, #tpu.memory_space<hbm>>
      %dma_start3A_20 = tpu.memref_squeeze %dma_start3A_19 : memref<1x79x128xi32, #tpu.memory_space<hbm>> -> memref<79x128xi32, #tpu.memory_space<hbm>>
      tpu.enqueue_dma source(%dma_start3A_20 : memref<79x128xi32, #tpu.memory_space<hbm>>) target(%arg8 : memref<79x128xi32, #tpu.memory_space<vmem>>) target_semaphore(%run_scoped3A : memref<!tpu.dma_semaphore, #tpu.memory_space<semaphore_mem>>)
      %dma_wait3A = arith.constant 0 : i32
      %dma_wait3A_21 = arith.constant 0 : i32
      %dma_wait3A_22 = tpu.memref_slice %arg3[%add3A, %dma_wait3A, %dma_wait3A_21] : memref<32x79x128xi32, #tpu.memory_space<hbm>> -> memref<1x79x128xi32, #tpu.memory_space<hbm>>
      %dma_wait3A_23 = tpu.memref_squeeze %dma_wait3A_22 : memref<1x79x128xi32, #tpu.memory_space<hbm>> -> memref<79x128xi32, #tpu.memory_space<hbm>>
      %dma_wait3A_24 = arith.constant 0 : i32
      %dma_wait3A_25 = arith.constant 0 : i32
      %dma_wait3A_26 = tpu.memref_slice %arg3[%add3A, %dma_wait3A_24, %dma_wait3A_25] : memref<32x79x128xi32, #tpu.memory_space<hbm>> -> memref<1x79x128xi32, #tpu.memory_space<hbm>>
      %dma_wait3A_27 = tpu.memref_squeeze %dma_wait3A_26 : memref<1x79x128xi32, #tpu.memory_space<hbm>> -> memref<79x128xi32, #tpu.memory_space<hbm>>
      tpu.wait_dma2 semaphore(%run_scoped3A : memref<!tpu.dma_semaphore, #tpu.memory_space<semaphore_mem>>) src(%dma_wait3A_27 : memref<79x128xi32, #tpu.memory_space<hbm>>) dst(%arg8 : memref<79x128xi32, #tpu.memory_space<vmem>>)
      tpu.yield
    }) : () -> ()
    "tpu.region"() ({
      %run_scoped3A = tpu.sem_alloc : memref<!tpu.dma_semaphore, #tpu.memory_space<semaphore_mem>>
      %dma_start3A = arith.constant 0 : i32
      %dma_start3A_14 = arith.constant 0 : i32
      %dma_start3A_15 = tpu.memref_slice %arg4[%add3A, %dma_start3A, %dma_start3A_14] : memref<32x79x128xi32, #tpu.memory_space<hbm>> -> memref<1x79x128xi32, #tpu.memory_space<hbm>>
      %dma_start3A_16 = tpu.memref_squeeze %dma_start3A_15 : memref<1x79x128xi32, #tpu.memory_space<hbm>> -> memref<79x128xi32, #tpu.memory_space<hbm>>
      %dma_start3A_17 = arith.constant 0 : i32
      %dma_start3A_18 = arith.constant 0 : i32
      %dma_start3A_19 = tpu.memref_slice %arg4[%add3A, %dma_start3A_17, %dma_start3A_18] : memref<32x79x128xi32, #tpu.memory_space<hbm>> -> memref<1x79x128xi32, #tpu.memory_space<hbm>>
      %dma_start3A_20 = tpu.memref_squeeze %dma_start3A_19 : memref<1x79x128xi32, #tpu.memory_space<hbm>> -> memref<79x128xi32, #tpu.memory_space<hbm>>
      tpu.enqueue_dma source(%dma_start3A_20 : memref<79x128xi32, #tpu.memory_space<hbm>>) target(%arg9 : memref<79x128xi32, #tpu.memory_space<vmem>>) target_semaphore(%run_scoped3A : memref<!tpu.dma_semaphore, #tpu.memory_space<semaphore_mem>>)
      %dma_wait3A = arith.constant 0 : i32
      %dma_wait3A_21 = arith.constant 0 : i32
      %dma_wait3A_22 = tpu.memref_slice %arg4[%add3A, %dma_wait3A, %dma_wait3A_21] : memref<32x79x128xi32, #tpu.memory_space<hbm>> -> memref<1x79x128xi32, #tpu.memory_space<hbm>>
      %dma_wait3A_23 = tpu.memref_squeeze %dma_wait3A_22 : memref<1x79x128xi32, #tpu.memory_space<hbm>> -> memref<79x128xi32, #tpu.memory_space<hbm>>
      %dma_wait3A_24 = arith.constant 0 : i32
      %dma_wait3A_25 = arith.constant 0 : i32
      %dma_wait3A_26 = tpu.memref_slice %arg4[%add3A, %dma_wait3A_24, %dma_wait3A_25] : memref<32x79x128xi32, #tpu.memory_space<hbm>> -> memref<1x79x128xi32, #tpu.memory_space<hbm>>
      %dma_wait3A_27 = tpu.memref_squeeze %dma_wait3A_26 : memref<1x79x128xi32, #tpu.memory_space<hbm>> -> memref<79x128xi32, #tpu.memory_space<hbm>>
      tpu.wait_dma2 semaphore(%run_scoped3A : memref<!tpu.dma_semaphore, #tpu.memory_space<semaphore_mem>>) src(%dma_wait3A_27 : memref<79x128xi32, #tpu.memory_space<hbm>>) dst(%arg9 : memref<79x128xi32, #tpu.memory_space<vmem>>)
      tpu.yield
    }) : () -> ()
    %barrier3A = arith.constant 0 : index
    tpu.barrier barrier_id(%barrier3A)
    %scan3A = arith.constant 0 : i32
    %scan3A_5 = arith.constant 79 : i32
    %scan3A_6 = arith.addi %scan3A, %scan3A_5 : i32
    %scan3A_7 = arith.constant 1 : i32
    scf.for %scan3A_14 = %scan3A to %scan3A_6 step %scan3A_7  : i32 {
      %mul3A_15 = arith.constant 1 : i32
      %mul3A_16 = arith.muli %scan3A_14, %mul3A_15 : i32
      %add3A_17 = arith.constant 0 : i32
      %add3A_18 = arith.addi %add3A_17, %mul3A_16 : i32
      %dma_start3A = arith.constant 0 : i32
      %dma_start3A_19 = tpu.memref_slice %arg8[%add3A_18, %dma_start3A] : memref<79x128xi32, #tpu.memory_space<vmem>> -> memref<1x128xi32, #tpu.memory_space<vmem>>
      %dma_start3A_20 = tpu.memref_squeeze %dma_start3A_19 : memref<1x128xi32, #tpu.memory_space<vmem>> -> memref<128xi32, #tpu.memory_space<vmem>>
      %dma_start3A_21 = arith.constant 0 : i32
      %dma_start3A_22 = arith.constant 0 : i32
      %dma_start3A_23 = tpu.memref_slice %arg2[%dma_start3A_21, %dma_start3A_22] : memref<270000x128xf32, #tpu.memory_space<hbm>> -> memref<270000x128xf32, #tpu.memory_space<hbm>>
      tpu.enqueue_indirect_dma source(%dma_start3A_23 : memref<270000x128xf32, #tpu.memory_space<hbm>>) target(%arg10 : memref<128x128xf32, #tpu.memory_space<vmem>>) offsets(%dma_start3A_20 : memref<128xi32, #tpu.memory_space<vmem>>) semaphore(%arg11 : memref<!tpu.dma_semaphore, #tpu.memory_space<semaphore_mem>>)
      %dma_wait3A = arith.constant 0 : i32
      %dma_wait3A_24 = tpu.memref_slice %arg8[%add3A_18, %dma_wait3A] : memref<79x128xi32, #tpu.memory_space<vmem>> -> memref<1x128xi32, #tpu.memory_space<vmem>>
      %dma_wait3A_25 = tpu.memref_squeeze %dma_wait3A_24 : memref<1x128xi32, #tpu.memory_space<vmem>> -> memref<128xi32, #tpu.memory_space<vmem>>
      %dma_wait3A_26 = arith.constant 0 : i32
      %dma_wait3A_27 = arith.constant 0 : i32
      %dma_wait3A_28 = tpu.memref_slice %arg2[%dma_wait3A_26, %dma_wait3A_27] : memref<270000x128xf32, #tpu.memory_space<hbm>> -> memref<270000x128xf32, #tpu.memory_space<hbm>>
      tpu.wait_indirect_dma semaphore(%arg11 : memref<!tpu.dma_semaphore, #tpu.memory_space<semaphore_mem>>) src(%dma_wait3A_28 : memref<270000x128xf32, #tpu.memory_space<hbm>>) dst(%arg10 : memref<128x128xf32, #tpu.memory_space<vmem>>)
      "tpu.region"() ({
        %run_scoped3A = tpu.sem_alloc : memref<!tpu.dma_semaphore, #tpu.memory_space<semaphore_mem>>
        %dma_start3A_29 = arith.constant 0 : i32
        %dma_start3A_30 = tpu.memref_slice %arg9[%add3A_18, %dma_start3A_29] : memref<79x128xi32, #tpu.memory_space<vmem>> -> memref<1x128xi32, #tpu.memory_space<vmem>>
        %dma_start3A_31 = tpu.memref_squeeze %dma_start3A_30 : memref<1x128xi32, #tpu.memory_space<vmem>> -> memref<128xi32, #tpu.memory_space<vmem>>
        %dma_start3A_32 = arith.constant 0 : i32
        %dma_start3A_33 = arith.constant 0 : i32
        %dma_start3A_34 = tpu.memref_slice %arg7[%dma_start3A_32, %dma_start3A_33] : memref<10240x128xf32, #tpu.memory_space<vmem_shared>> -> memref<10240x128xf32, #tpu.memory_space<vmem_shared>>
        tpu.enqueue_indirect_dma source(%arg10 : memref<128x128xf32, #tpu.memory_space<vmem>>) target(%dma_start3A_34 : memref<10240x128xf32, #tpu.memory_space<vmem_shared>>) offsets(%dma_start3A_31 : memref<128xi32, #tpu.memory_space<vmem>>) semaphore(%run_scoped3A : memref<!tpu.dma_semaphore, #tpu.memory_space<semaphore_mem>>) {add = true}
        %dma_wait3A_35 = arith.constant 0 : i32
        %dma_wait3A_36 = tpu.memref_slice %arg9[%add3A_18, %dma_wait3A_35] : memref<79x128xi32, #tpu.memory_space<vmem>> -> memref<1x128xi32, #tpu.memory_space<vmem>>
        %dma_wait3A_37 = tpu.memref_squeeze %dma_wait3A_36 : memref<1x128xi32, #tpu.memory_space<vmem>> -> memref<128xi32, #tpu.memory_space<vmem>>
        %dma_wait3A_38 = arith.constant 0 : i32
        %dma_wait3A_39 = arith.constant 0 : i32
        %dma_wait3A_40 = tpu.memref_slice %arg7[%dma_wait3A_38, %dma_wait3A_39] : memref<10240x128xf32, #tpu.memory_space<vmem_shared>> -> memref<10240x128xf32, #tpu.memory_space<vmem_shared>>
        tpu.wait_indirect_dma semaphore(%run_scoped3A : memref<!tpu.dma_semaphore, #tpu.memory_space<semaphore_mem>>) src(%arg10 : memref<128x128xf32, #tpu.memory_space<vmem>>) dst(%dma_wait3A_40 : memref<10240x128xf32, #tpu.memory_space<vmem_shared>>)
        tpu.yield
      }) : () -> ()
    }
    %scan3A_8 = arith.constant 79 : i32
    %barrier3A_9 = arith.constant 0 : index
    tpu.barrier barrier_id(%barrier3A_9)
    %mul3A_10 = arith.constant 640 : i32
    %mul3A_11 = arith.muli %arg1, %mul3A_10 : i32
    %mul3A_12 = arith.constant 640 : i32
    %mul3A_13 = arith.muli %arg1, %mul3A_12 : i32
    "tpu.region"() ({
      %run_scoped3A = tpu.sem_alloc : memref<!tpu.dma_semaphore, #tpu.memory_space<semaphore_mem>>
      %dma_start3A = arith.constant 0 : i32
      %dma_start3A_14 = tpu.memref_slice %arg6[%arg0, %mul3A_13, %dma_start3A] : memref<2x10240x128xf32, #tpu.memory_space<hbm>> -> memref<1x640x128xf32, #tpu.memory_space<hbm>>
      %dma_start3A_15 = tpu.memref_squeeze %dma_start3A_14 : memref<1x640x128xf32, #tpu.memory_space<hbm>> -> memref<640x128xf32, #tpu.memory_space<hbm>>
      %dma_start3A_16 = arith.constant 0 : i32
      %dma_start3A_17 = tpu.memref_slice %arg7[%mul3A_11, %dma_start3A_16] : memref<10240x128xf32, #tpu.memory_space<vmem_shared>> -> memref<640x128xf32, #tpu.memory_space<vmem_shared>>
      tpu.enqueue_dma source(%dma_start3A_17 : memref<640x128xf32, #tpu.memory_space<vmem_shared>>) target(%dma_start3A_15 : memref<640x128xf32, #tpu.memory_space<hbm>>) target_semaphore(%run_scoped3A : memref<!tpu.dma_semaphore, #tpu.memory_space<semaphore_mem>>)
      %dma_wait3A = arith.constant 0 : i32
      %dma_wait3A_18 = tpu.memref_slice %arg6[%arg0, %mul3A_13, %dma_wait3A] : memref<2x10240x128xf32, #tpu.memory_space<hbm>> -> memref<1x640x128xf32, #tpu.memory_space<hbm>>
      %dma_wait3A_19 = tpu.memref_squeeze %dma_wait3A_18 : memref<1x640x128xf32, #tpu.memory_space<hbm>> -> memref<640x128xf32, #tpu.memory_space<hbm>>
      %dma_wait3A_20 = arith.constant 0 : i32
      %dma_wait3A_21 = tpu.memref_slice %arg7[%mul3A_11, %dma_wait3A_20] : memref<10240x128xf32, #tpu.memory_space<vmem_shared>> -> memref<640x128xf32, #tpu.memory_space<vmem_shared>>
      tpu.wait_dma2 semaphore(%run_scoped3A : memref<!tpu.dma_semaphore, #tpu.memory_space<semaphore_mem>>) src(%dma_wait3A_21 : memref<640x128xf32, #tpu.memory_space<vmem_shared>>) dst(%dma_wait3A_19 : memref<640x128xf32, #tpu.memory_space<hbm>>)
      tpu.yield
    }) : () -> ()
    return
  }
}

module attributes {stable_mosaic.version = 14 : i64} {
  func.func @_gemm_body(%arg0: i32, %arg1: i32, %arg2: memref<2000x128xf32, #tpu.memory_space<vmem>>, %arg3: memref<1x128x128xf32, #tpu.memory_space<vmem>>, %arg4: memref<1x2000x128xf32, #tpu.memory_space<vmem>>) attributes {dimension_semantics = [#tpu.dimension_semantics<arbitrary>, #tpu.dimension_semantics<arbitrary>], iteration_bounds = array<i64: 27, 5>, scalar_prefetch = 0 : i64, scratch_operands = 0 : i64, tpu.core_type = #tpu.core_type<tc>, window_params = [{transform_indices = @transform_0, window_bounds = array<i64: 2000, 128>}, {transform_indices = @transform_1, window_bounds = array<i64: 1, 128, 128>}, {transform_indices = @transform_2, window_bounds = array<i64: 1, 2000, 128>}]} {
    %get3A = arith.constant 0 : index
    %get3A_0 = arith.constant 0 : index
    %get3A_1 = vector.load %arg2[%get3A, %get3A_0] : memref<2000x128xf32, #tpu.memory_space<vmem>>, vector<2000x128xf32>
    %get3A_2 = arith.constant 0 : index
    %get3A_3 = arith.constant 0 : index
    %get3A_4 = arith.constant 0 : index
    %get3A_5 = vector.load %arg3[%get3A_2, %get3A_3, %get3A_4] : memref<1x128x128xf32, #tpu.memory_space<vmem>>, vector<1x128x128xf32>
    %get3A_6 = vector.shape_cast %get3A_5 : vector<1x128x128xf32> to vector<128x128xf32>
    %dot_general3A = arith.constant dense<0.000000e+00> : vector<2000x128xf32>
    %dot_general3A_7 = tpu.matmul %get3A_1, %get3A_6, %dot_general3A {dimension_numbers = #tpu.dot_dimension_numbers<[1], [0], [0], [1], [0, 0, 1, 1], [], []>, transpose_lhs_hint = false} : vector<2000x128xf32>, vector<128x128xf32>, vector<2000x128xf32> -> vector<2000x128xf32>
    %swap3A = arith.constant 0 : index
    %swap3A_8 = arith.constant 0 : index
    %swap3A_9 = arith.constant 0 : index
    %swap3A_10 = vector.load %arg4[%swap3A, %swap3A_8, %swap3A_9] : memref<1x2000x128xf32, #tpu.memory_space<vmem>>, vector<1x2000x128xf32>
    %swap3A_11 = vector.shape_cast %swap3A_10 : vector<1x2000x128xf32> to vector<2000x128xf32>
    %swap3A_12 = vector.shape_cast %dot_general3A_7 : vector<2000x128xf32> to vector<1x2000x128xf32>
    tpu.vector_store %arg4[%swap3A, %swap3A_8, %swap3A_9], %swap3A_12 {strides = array<i32>} : memref<1x2000x128xf32, #tpu.memory_space<vmem>>, vector<1x2000x128xf32>,
    return
  }
  func.func @transform_0(%arg0: i32, %arg1: i32) -> (i32, i32) {
    %c0_i32 = arith.constant 0 : i32
    %c0_i32_0 = arith.constant 0 : i32
    return %arg1, %c0_i32 : i32, i32
  }
  func.func @transform_1(%arg0: i32, %arg1: i32) -> (i32, i32, i32) {
    %c0_i32 = arith.constant 0 : i32
    %c0_i32_0 = arith.constant 0 : i32
    %c0_i32_1 = arith.constant 0 : i32
    return %arg0, %c0_i32, %c0_i32_0 : i32, i32, i32
  }
  func.func @transform_2(%arg0: i32, %arg1: i32) -> (i32, i32, i32) {
    %c0_i32 = arith.constant 0 : i32
    %c0_i32_0 = arith.constant 0 : i32
    return %arg0, %arg1, %c0_i32 : i32, i32, i32
  }
}

module attributes {stable_mosaic.version = 14 : i64} {
  func.func @_add_body(%arg0: i32, %arg1: memref<1x2000x128xf32, #tpu.memory_space<vmem>>, %arg2: memref<1x2000x128xf32, #tpu.memory_space<vmem>>, %arg3: memref<2000x128xf32, #tpu.memory_space<vmem>>) attributes {dimension_semantics = [#tpu.dimension_semantics<arbitrary>], iteration_bounds = array<i64: 5>, scalar_prefetch = 0 : i64, scratch_operands = 0 : i64, tpu.core_type = #tpu.core_type<tc>, window_params = [{transform_indices = @transform_0, window_bounds = array<i64: 1, 2000, 128>}, {transform_indices = @transform_1, window_bounds = array<i64: 1, 2000, 128>}, {transform_indices = @transform_2, window_bounds = array<i64: 2000, 128>}]} {
    %get3A = arith.constant 0 : index
    %get3A_0 = arith.constant 0 : index
    %get3A_1 = arith.constant 0 : index
    %get3A_2 = vector.load %arg1[%get3A, %get3A_0, %get3A_1] : memref<1x2000x128xf32, #tpu.memory_space<vmem>>, vector<1x2000x128xf32>
    %get3A_3 = vector.shape_cast %get3A_2 : vector<1x2000x128xf32> to vector<2000x128xf32>
    %get3A_4 = arith.constant 0 : index
    %get3A_5 = arith.constant 0 : index
    %get3A_6 = arith.constant 0 : index
    %get3A_7 = vector.load %arg2[%get3A_4, %get3A_5, %get3A_6] : memref<1x2000x128xf32, #tpu.memory_space<vmem>>, vector<1x2000x128xf32>
    %get3A_8 = vector.shape_cast %get3A_7 : vector<1x2000x128xf32> to vector<2000x128xf32>
    %add3A = arith.addf %get3A_3, %get3A_8 : vector<2000x128xf32>
    %swap3A = arith.constant 0 : index
    %swap3A_9 = arith.constant 0 : index
    %swap3A_10 = vector.load %arg3[%swap3A, %swap3A_9] : memref<2000x128xf32, #tpu.memory_space<vmem>>, vector<2000x128xf32>
    tpu.vector_store %arg3[%swap3A, %swap3A_9], %add3A {strides = array<i32>} : memref<2000x128xf32, #tpu.memory_space<vmem>>, vector<2000x128xf32>,
    return
  }
  func.func @transform_0(%arg0: i32) -> (i32, i32, i32) {
    %c0_i32 = arith.constant 0 : i32
    %c0_i32_0 = arith.constant 0 : i32
    %c0_i32_1 = arith.constant 0 : i32
    return %c0_i32, %arg0, %c0_i32_0 : i32, i32, i32
  }
  func.func @transform_1(%arg0: i32) -> (i32, i32, i32) {
    %c1_i32 = arith.constant 1 : i32
    %c0_i32 = arith.constant 0 : i32
    %c0_i32_0 = arith.constant 0 : i32
    return %c1_i32, %arg0, %c0_i32 : i32, i32, i32
  }
  func.func @transform_2(%arg0: i32) -> (i32, i32) {
    %c0_i32 = arith.constant 0 : i32
    %c0_i32_0 = arith.constant 0 : i32
    return %arg0, %c0_i32 : i32, i32
  }
}

</mosaic_0001>

<sc_bundles>
// kernel: kernel.6.cloned.1.call-start
scs
__scs_entry_jumppad:
0x0: {  	(pc) =	sbr.rel $0x88, $3  }
0x1: {  	(tag) =	ssettag $0x0;
	lr =	simm.s32 $0x1  }
0x2: {  	[smem:$0x3F9C] =	sst lr;
	_ =	strace $0xD0000000  }
0x3: {  	_ = 	snop  }
0x4: {  	_ = 	snop  }
0x5: {  	_ = 	snop  }
0x6: {  	_ = 	snop  }
0x7: {  	_ = 	snop  }
__scs_overlays_trampoline_lowered:
0x8: {  	[smem:$0x3FAB] =	sst s0  }
0x9: {  	[smem:$0x3FAC] =	sst s1  }
0xa: {  	[smem:$0x3FAD] =	sst s2  }
0xb: {  	[smem:$0x3FAE] =	sst s3  }
0xc: {  	[smem:$0x3FAF] =	sst s4  }
0xd: {  	[smem:$0x3FB0] =	sst s5  }
0xe: {  	[smem:$0x3FB1] =	sst s6  }
0xf: {  	[smem:$0x3FB2] =	sst s7  }
0x10: {  	[smem:$0x3FB3] =	sst s8  }
0x11: {  	[smem:$0x3FB4] =	sst s9;
	s0 =	simm.s32 @!p0 $0x0  }
0x12: {  	s1 =	sld [smem:$0x3F9A];
	s0 =	simm.s32 @p0 $0x1  }
0x13: {  	[smem:$0x3FB5] =	sst s0;
	s0 =	simm.s32 @!p1 $0x0  }
0x14: {  	s2 =	sld [smem:$0x3F99];
	s0 =	simm.s32 @p1 $0x1  }
0x15: {  	[smem:$0x3FB6] =	sst s0;
	s0 =	simm.s32 @!p2 $0x0  }
0x16: {  	s3 =	sld [smem:$0x3FDB];
	s0 =	simm.s32 @p2 $0x1  }
0x17: {  	s4 =	simm.s32 $0x1BF5;
	[smem:$0x3FB8] =	sst s0  }
0x18: {  	s0 =	sld [smem:$0x3F9B];
	_ =	swait.ge [sflag:s4], $0x0  }
0x19: {  	s7 =	sld [smem:$0x3F9C]  }
0x1a: {  	s8 =	sadd.s32 $0xFFFFE003, lr  }
0x1b: {  	s9 =	sadd.s32 $0xFFFFFEF7, lr;
	s5 =	simm.s32 $0xFFFFFFFF;
	p2 =	slt.u32 s8, $0xFFFFF086  }
0x1c: {  	p1 =	slt.u32 s9, $0xF7A;
	s5 =	simm.s32 @!p2 $0x0  }
0x1d: {  	s5 =	simm.s32 @p1 $0x1;
	p0 =	seq.s32 s7, s2  }
0x1e: {  	s7 =	smul.u32 @!p0 $0xF7A, s2;
	p2 =	seq.s32 @!p0 s5, $0x0  }
0x1f: {  	s9 =	smul.u32 $0xF7A, s1;
	s8 =	simm.s32 @!p0 $0x1BF5;
	p2 =	por !p2, p0  }
0x20: {  	[sflag:s8] =	ssyncset.s32 @!p0 $0xFFFFF086;
	s6 =	sadd.s32 @!p0 s3, s7;
	s7 =	simm.s32 @!p0 $0x108  }
0x21: {  	s3 =	sadd.s32 s3, s9;
	s6 =	sadd.s32 @!p0 $0x88, s6;
	s7 =	simm.s32 @p2 $0x1082  }
0x22: {  	[simem:s7], [sflag:s8] =	dma.local @!p0 [hbm:s6], $0xF7A  }
0x23: {  	s9 =	sor.u32 $0xD0000000, s2;
	s6 =	simm.s32 $0x108;
	_ =	swait.ge @!p0 [sflag:s8], $0x0  }
0x24: {  	s3 =	sadd.s32 $0x88, s3;
	s6 =	simm.s32 @!p1 $0x1082;
	[sflag:s4] =	ssyncset.s32 $0xFFFFF086  }
0x25: {  	[simem:s6], [sflag:s4] =	dma.local [hbm:s3], $0xF7A  }
0x26: {  	[smem:$0x3F9C] =	sst s1;
	(tag) =	ssettag s2;
	_ =	strace s9  }
0x27: {  	s1 =	sld [smem:$0x3FAC]  }
0x28: {  	s2 =	sld [smem:$0x3FAD]  }
0x29: {  	s4 =	sld [smem:$0x3FAF]  }
0x2a: {  	p0 =	seq.s32 s5, $0x0;
	s5 =	sld [smem:$0x3FB0]  }
0x2b: {  	s6 =	sld [smem:$0x3FB1]  }
0x2c: {  	s7 =	sld [smem:$0x3FB2]  }
0x2d: {  	s3 =	simm.s32 $0x108;
	s8 =	sld [smem:$0x3FB3]  }
0x2e: {  	s3 =	simm.s32 @!p0 $0x1082;
	s9 =	sld [smem:$0x3FB4]  }
0x2f: {  	lr =	sadd.s32 s0, s3;
	s0 =	sld [smem:$0x3FAB]  }
0x30: {  	s3 =	sld [smem:$0x3FAE]  }
0x31: {  	[smem:$0x3FB7] =	sst s10  }
0x32: {  	s10 =	sld [smem:$0x3FB5];
	_ =	sdelay $0x3  }
0x33: {  	p0 =	seq.s32 s10, $0x1;
	s10 =	sld [smem:$0x3FB7];
	_ =	sdelay $0x3  }
0x34: {  	[smem:$0x3FB7] =	sst s10  }
0x35: {  	s10 =	sld [smem:$0x3FB6];
	_ =	sdelay $0x3  }
0x36: {  	p1 =	seq.s32 s10, $0x1;
	s10 =	sld [smem:$0x3FB7];
	_ =	sdelay $0x3  }
0x37: {  	[smem:$0x3FB7] =	sst s10  }
0x38: {  	s10 =	sld [smem:$0x3FB8]  }
0x39: {  	_ = 	snop;
	(pc) =	sbr.ind lr, $3  }
0x3a: {  	_ = 	snop  }
0x3b: {  	_ = 	snop  }
0x3c: {  	p2 =	seq.s32 s10, $0x1;
	s10 =	sld [smem:$0x3FB7]  }
0x3d: {  	_ =	shalt  }
0x3e: {  	_ =	shalt  }
0x3f: {  	_ =	shalt  }
0x40: {  	_ =	shalt  }
0x41: {  	_ =	shalt  }
0x42: {  	_ =	shalt  }
0x43: {  	_ =	shalt  }
0x44: {  	_ =	shalt  }
0x45: {  	_ =	shalt  }
0x46: {  	_ =	shalt  }
0x47: {  	_ =	shalt  }
0x48: {  	_ =	shalt  }
0x49: {  	_ =	shalt  }
0x4a: {  	_ =	shalt  }
0x4b: {  	_ =	shalt  }
0x4c: {  	_ =	shalt  }
0x4d: {  	_ =	shalt  }
0x4e: {  	_ =	shalt  }
0x4f: {  	_ =	shalt  }
0x50: {  	_ =	shalt  }
0x51: {  	_ =	shalt  }
0x52: {  	_ =	shalt  }
0x53: {  	_ =	shalt  }
0x54: {  	_ =	shalt  }
0x55: {  	_ =	shalt  }
0x56: {  	_ =	shalt  }
0x57: {  	_ =	shalt  }
0x58: {  	_ =	shalt  }
0x59: {  	_ =	shalt  }
0x5a: {  	_ =	shalt  }
0x5b: {  	_ =	shalt  }
0x5c: {  	_ =	shalt  }
0x5d: {  	_ =	shalt  }
0x5e: {  	_ =	shalt  }
0x5f: {  	_ =	shalt  }
0x60: {  	_ =	shalt  }
0x61: {  	_ =	shalt  }
0x62: {  	_ =	shalt  }
0x63: {  	_ =	shalt  }
0x64: {  	_ =	shalt  }
0x65: {  	_ =	shalt  }
0x66: {  	_ =	shalt  }
0x67: {  	_ =	shalt  }
0x68: {  	_ =	shalt  }
0x69: {  	_ =	shalt  }
0x6a: {  	_ =	shalt  }
0x6b: {  	_ =	shalt  }
0x6c: {  	_ =	shalt  }
0x6d: {  	_ =	shalt  }
0x6e: {  	_ =	shalt  }
0x6f: {  	_ =	shalt  }
0x70: {  	_ =	shalt  }
0x71: {  	_ =	shalt  }
0x72: {  	_ =	shalt  }
0x73: {  	_ =	shalt  }
0x74: {  	_ =	shalt  }
0x75: {  	_ =	shalt  }
0x76: {  	_ =	shalt  }
0x77: {  	_ =	shalt  }
0x78: {  	_ =	shalt  }
0x79: {  	_ =	shalt  }
0x7a: {  	_ =	shalt  }
0x7b: {  	_ =	shalt  }
0x7c: {  	_ =	shalt  }
0x7d: {  	_ =	shalt  }
0x7e: {  	_ =	shalt  }
0x7f: {  	_ =	shalt  }
0x80: {  	_ =	shalt  }
0x81: {  	_ =	shalt  }
0x82: {  	_ =	shalt  }
0x83: {  	_ =	shalt  }
0x84: {  	_ =	shalt  }
0x85: {  	_ =	shalt  }
0x86: {  	_ =	shalt  }
0x87: {  	_ =	shalt  }
.Lfunc_end0:
.L_simem_size_0:
called_computation_lowered:
.L_overlay_start_0:
0x88: {  	s2 =	sld [smem:$0x3FD9]  }
0x89: {  	s3 =	sld [smem:$0x3FFE];
	_ =	sdelay $0x1  }
0x8a: {  	s1 =	srdreg.scid  }
0x8b: {  	s0 =	sand.u32 $0x1, s1  }
0x8c: {  	s14 =	sshll.u32 s0, $0xA;
	s2 =	sadd.s32 s3, s2  }
0x8d: {  	s2 =	sadd.s32 s2, s14  }
0x8e: {  	[smem:$0x3FC3] =	sst s2  }
0x8f: {  	_ = 	snop  }
0x90: {  	s2 =	sld [smem:$0x3FD0];
	_ =	sdelay $0x2  }
0x91: {  	s15 =	simm.s32 $0xA;
	s4 =	simm.s32 $0x10  }
0x92: {  	[smem:s4], [sflag:s15] =	dma.local [hbm:s2], $0x1  }
0x93: {  	_ =	swait.eq [sflag:s15], $0x1  }
0x94: {  	[sflag:s15] =	ssyncset.done $0x0  }
0x95: {  	[sflag:s15] =	ssyncadd.s32 $0xFFFFFFFF  }
0x96: {  	s16 =	sld [smem:$0x10];
	(tm) =	ssettm $0x1  }
0x97: {  	s17 =	sld [smem:$0x3FFB];
	_ =	sdelay $0x3  }
0x98: {  	_ =	strace s17  }
0x99: {  	s3 =	sld [smem:$0x3FFC];
	_ =	sdelay $0x3  }
0x9a: {  	_ =	strace s3  }
0x9b: {  	s3 =	sld [smem:$0x3FFD];
	_ =	sdelay $0x3  }
0x9c: {  	_ =	strace s3  }
0x9d: {  	_ =	strace $0x8FFFFFFF  }
0x9e: {  	s18 =	sld [smem:$0x3FDB];
	_ =	sdelay $0x1  }
0x9f: {  	s19 =	simm.s32 $_scs_section_size  }
0xa0: {  	s5 =	simm.s32 $_size__tile_overlayer_lowered;
	s6 =	simm.s32 $_tile_overlayer_lowered  }
0xa1: {  	s22 =	simm.s32 $0x1BFF;
	s21 =	sshll.u32 s6, $0x1;
	s3 =	sadd.s32 s19, s18  }
0xa2: {  	s7 =	simm.s32 $0x0;
	s20 =	sshll.u32 s5, $0x1;
	s5 =	sadd.s32 s21, s3  }
0xa3: {  	[timem:s7], [sflag:s22] =	dma.local [hbm:s5], s20  }
0xa4: {  	_ =	swait.ge [sflag:s22], s20  }
0xa5: {  	s4 =	ssub.s32 $0x0, s20;
	[sflag:s22] =	ssyncset.done $0x0  }
0xa6: {  	[sflag:s22] =	ssyncadd.s32 s4;
	_ =	sdelay $0x1  }
0xa7: {  	s23 =	simm.s32 $0x1B8B  }
0xa8: {  	_ =	swait.ge [sflag:s23], $0x1  }
0xa9: {  	[sflag:s23] =	ssyncset.done $0x0  }
0xaa: {  	s25 =	simm.s32 $0x1B8E;
	s24 =	sld [smem:$0x3FFE];
	[sflag:s23] =	ssyncadd.s32 $0xFFFFFFFF  }
0xab: {  	s26 =	simm.s32 $execute0_lowered;
	[smem:$0x3FD2] =	sst s25  }
0xac: {  	s5 =	sshll.u32 s26, $0x1;
	_ =	strace $0x80000046;
	[dreg:$0x1] =	wrdreg $0xFFFFFFFF  }
0xad: {  	s28 =	simm.s32 $_size_execute0_lowered;
	s3 =	sadd.s32 s3, s5;
	[dreg:$0x0] =	wrdreg $0x0  }
0xae: {  	s5 =	sshll.u32 s28, $0x1;
	[dreg:$0x2] =	wrdreg s3  }
0xaf: {  	[dreg:$0x3] =	wrdreg s5  }
0xb0: {  	[dreg:$0x4] =	wrdreg $0xC0  }
0xb1: {  	_ =	task [dreg:s7], $0x5FFFF  }
0xb2: {  	[dreg:$0x1] =	wrdreg $0xFFFFFFFF  }
0xb3: {  	[dreg:$0x0] =	wrdreg $0x60  }
0xb4: {  	[dreg:$0x2] =	wrdreg s24  }
0xb5: {  	[dreg:$0x3] =	wrdreg s16  }
0xb6: {  	[dreg:$0x4] =	wrdreg $0x0  }
0xb7: {  	[dreg:$0x5] =	wrdreg $0x9  }
0xb8: {  	_ =	task.clear_ibuf [dreg:s7], $0x6FFFF;
	_ =	strace $0x90000046  }
0xb9: {  	s29 =	simm.s32 $0x9;
	_ =	strace $0x80000048  }
0xba: {  	_ =	swait.ge [sflag:s29], $0x1  }
0xbb: {  	[sflag:s29] =	ssyncadd.s32 $0xFFFFFFFF  }
0xbc: {  	_ =	strace $0x90000048  }
0xbd: {  	_ =	sfence  }
0xbe: {  	s30 =	sld [smem:$0x0];
	_ =	sdelay $0x2  }
0xbf: {  	s31 =	sshll.u32 s1, $0xD;
	s1 =	sshrl.u32 s1, $0x2  }
0xc0: {  	s3 =	sand.u32 $0x4000, s31;
	s1 =	sadd.s32 s1, s30  }
0xc1: {  	s0 =	sor.u32 s3, s0;
	s1 =	sshll.u32 s1, $0x11  }
0xc2: {  	s0 =	sor.u32 s1, s0  }
0xc3: {  	s0 =	sadd.s32 $0x8F2B, s0  }
0xc4: {  	[sflag:s0] =	ssyncadd.remote.s32 $0x1  }
0xc5: {  	_ =	sfence.sel $0xFFFF  }
0xc6: {  	[dreg:$0x0] =	wrdreg $0xFFFFFFFF;
	(pc) =	sbr.abs _section_cstart, $3  }
0xc7: {  	[dreg:$0x1] =	wrdreg $0xFFFFFFFF  }
0xc8: {  	_ =	task.clear_ibuf [dreg:s7], $0x2FFFF;
	_ =	strace $0x9FFFFFFF  }
0xc9: {  	(tm) =	ssettm $0x7FFFFFFF  }
tec
execute0_lowered:
.L_overlay_start_1:
0x0: {  	(tag) =	ssettag $0x1  }
0x1: {  	s6 =	rddreg [dreg:$0x0]  }
0x2: {  	s7 =	rddreg [dreg:$0x1]  }
0x3: {  	s0 =	srdreg.scid;
	s2 =	rddreg [dreg:$0x2]  }
0x4: {  	s3 =	simm.s32 $0x0;
	s15 =	simm.s32 $0x80;
	s16 =	simm.s32 $0x19000  }
0x5: {  	s17 =	simm.s32 $0x1;
	s5 =	sand.u32 $0x1, s0;
	s0 =	stileid.u32  }
0x6: {  	s18 =	simm.s32 $0x0;
	[smem:$0x7FF] =	sst s3;
	s9 =	smul.u32 $0x14000, s0  }
0x7: {  	s4 =	sadd.s32 $0xB200, s6;
	s1 =	sshll.u32 s5, $0x4;
	s10 =	smul.u32 $0x140000, s5  }
0x8: {  	s5 =	ssub.s32 $0x2, s5;
	s28 =	smul.u32 $0x50000, s0;
	s1 =	sor.u32 s0, s1  }
0x9: {  	s31 =	sshll.u32 s0, $0x6;
	s29 =	sshrl.u32 s5, $0x1;
	s8 =	smul.u32 $0x500, s1  }
0xa: {  	s1 =	rddreg [dreg:$0x3];
	_ =	strace $0x80000047;
	s12 =	sshrl.u32 s9, $0x3  }
0xb: {  	s9 =	sadd.s32 s9, s10;
	s13 =	ssub.s32 s5, s29;
	s30 =	sshrl.u32 s28, $0x2  }
0xc: {  	s9 =	sshrl.u32 s9, $0x3;
	s12 =	sadd.s32 s12, s6;
	s14 =	sadd.s32 s30, s2  }
0xd: {  	s10 =	smax.u32 s13, $0x1;
	s13 =	simm.s32 $0x14000;
	s11 =	sadd.s32 s8, s6  }
0xe: {  	s9 =	sadd.s32 s9, s6;
	s5 =	sadd.s32 $0x429E00, s12;
	s6 =	sor.u32 $0x1C02, s31  }
0xf: {  	s7 =	sadd.s32 s7, s8;
	s12 =	simm.s32 $0x2;
	s8 =	sadd.s32 $0x1200, s11  }
0x10: {  	s9 =	sadd.s32 $0x451E00, s9;
	s11 =	sshrl.u32 s14, $0x3;
	s14 =	simm.s32 $0x16800  }
.LBB2_1:
0x11: {  	[spmem:s11], [sflag:s6] =	dma.local [hbm:s5], $0x2800  }
0x12: {  	_ =	swait.ge [sflag:s12], $0x2800  }
0x13: {  	[sflag:s12] =	ssyncset.done $0x0  }
0x14: {  	[sflag:s12] =	ssyncadd.s32 $0xFFFFD800  }
0x15: {  	[tilespmem:s13], [sflag:$0x2] =	stream.linear.gather [hbm4b:s7+s3], $0x2780, $0x38;
	[tilespmem:$0x1D000] =	vst v63  }
0x16: {  	_ =	swait.ge [sflag:s12], $0x2780  }
0x17: {  	[sflag:s12] =	ssyncset.done $0x0  }
0x18: {  	[sflag:s12] =	ssyncadd.s32 $0xFFFFD880  }
0x19: {  	[tilespmem:s14], [sflag:$0x2] =	stream.linear.gather [hbm4b:s8+s3], $0x2780, $0x38;
	[tilespmem:$0x1D000] =	vst v63  }
0x1a: {  	_ =	swait.ge [sflag:s12], $0x2780  }
0x1b: {  	[sflag:s12] =	ssyncset.done $0x0  }
0x1c: {  	[sflag:s12] =	ssyncadd.s32 $0xFFFFD880  }
0x1d: {  	s19 =	simm.s32 $0x14000;
	[bflag:$0x0] =	sbarrier.arrive $0xFFFF  }
0x1e: {  	[tilespmem:s16], [sflag:$0x1] =	stream.indirect.gather [hbm4b:s4+s15], $0x80, s19, s15, $0xb8;
	[tilespmem:$0x1D000] =	vst v63  }
0x1f: {  	_ =	swait.ge [sflag:s17], $0x4000  }
0x20: {  	[sflag:s17] =	ssyncset.done $0x0  }
0x21: {  	s31 =	simm.s32 $0x16800;
	[sflag:s17] =	ssyncadd.s32 $0xFFFFC000  }
0x22: {  	[spmem:s2] =	stream.indirect.scatter.add.f32 [tilespmem:s16], [sflag:$0x2], $0x80, s31, s15, $0xb8;
	[tilespmem:$0x1D000] =	vst v63  }
0x23: {  	_ =	swait.ge [sflag:s12], $0x4000  }
0x24: {  	s20 =	simm.s32 $0x400;
	s19 =	simm.s32 $0x80;
	[sflag:s12] =	ssyncset.done $0x0  }
.LBB2_2:
0x25: {  	s21 =	sadd.s32 $0x14000, s19  }
0x26: {  	[sflag:s12] =	ssyncadd.s32 $0xFFFFC000;
	s22 =	smov.u32 s20;
	s23 =	sadd.s32 $0x200, s20  }
0x27: {  	[tilespmem:s16], [sflag:$0x1] =	stream.indirect.gather [hbm4b:s4+s15], $0x80, s21, s15, $0xb8;
	[tilespmem:$0x1D000] =	vst v63  }
0x28: {  	p0 =	sne.s32 s20, $0x9C00;
	_ =	swait.ge [sflag:s17], $0x4000  }
.Ltmp0:
0x29: {  	[sflag:s17] =	ssyncset.done $0x0;
	(pc) =	sbr.rel @p0 .LBB2_2-.Ltmp0, $4  }
0x2a: {  	s19 =	sadd.s32 $0x16800, s19;
	[sflag:s17] =	ssyncadd.s32 $0xFFFFC000  }
0x2b: {  	[spmem:s2] =	stream.indirect.scatter.add.f32 [tilespmem:s16], [sflag:$0x2], $0x80, s19, s15, $0xb8;
	[tilespmem:$0x1D000] =	vst v63  }
0x2c: {  	_ =	swait.ge [sflag:s12], $0x4000  }
0x2d: {  	s20 =	smov.u32 s23;
	s19 =	sshra.s32 s22, $0x2;
	[sflag:s12] =	ssyncset.done $0x0  }
0x2e: {  	s20 =	sadd.s32 $0x14000, s19;
	[sflag:s12] =	ssyncadd.s32 $0xFFFFC000  }
0x2f: {  	[tilespmem:s16], [sflag:$0x1] =	stream.indirect.gather [hbm4b:s4+s15], $0x80, s20, s15, $0xb8;
	[tilespmem:$0x1D000] =	vst v63  }
0x30: {  	_ =	swait.ge [sflag:s17], $0x4000  }
0x31: {  	[sflag:s17] =	ssyncset.done $0x0  }
0x32: {  	s31 =	sadd.s32 $0x16800, s19;
	[sflag:s17] =	ssyncadd.s32 $0xFFFFC000  }
0x33: {  	[spmem:s2] =	stream.indirect.scatter.add.f32 [tilespmem:s16], [sflag:$0x2], $0x80, s31, s15, $0xb8;
	[tilespmem:$0x1D000] =	vst v63  }
0x34: {  	_ =	swait.ge [sflag:s12], $0x4000  }
0x35: {  	s18 =	sadd.s32 $0x1, s18;
	[sflag:s12] =	ssyncset.done $0x0  }
0x36: {  	p0 =	sne.s32 s18, s10;
	[sflag:s12] =	ssyncadd.s32 $0xFFFFC000  }
.Ltmp1:
0x37: {  	[bflag:$0x0] =	sbarrier.arrive $0xFFFF;
	(pc) =	sbr.rel @p0 .LBB2_1-.Ltmp1, $4  }
0x38: {  	[hbm:s9], [sflag:s6] =	dma.local [spmem:s11], $0x2800  }
0x39: {  	_ =	swait.ge [sflag:s12], $0x2800  }
0x3a: {  	[sflag:s12] =	ssyncset.done $0x0  }
0x3b: {  	[sflag:s12] =	ssyncadd.s32 $0xFFFFD800  }
0x3c: {  	_ =	sfence.sel $0x180000  }
0x3d: {  	[bflag:$0x0] =	sbarrier.arrive $0xFFFF  }
0x3e: {  	p0 =	sne.s32 s0, $0x0;
	_ =	strace $0x90000047  }
0x3f: {  	s0 =	sadd.s32 @!p0 $0x100000, s1;
	[bflag:$0x2] =	sbarrier.arrive $0xFFFF  }
0x40: {  	[sflag:s0] =	ssyncadd.tile.s32 @!p0 $0x1;
	_ =	shalt  }
.Lfunc_end2:
_tile_overlayer_lowered:
.L_overlay_start_2:
0x41: {  	(tag) =	ssettag $0x2  }
0x42: {  	s0 =	rddreg [dreg:$0x0];
	s2 =	stileid.u32  }
0x43: {  	s1 =	rddreg [dreg:$0x1];
	p0 =	sne.s32 s2, $0x0  }
0x44: {  	s3 =	rddreg [dreg:$0x2];
	[bflag:$0x3] =	sbarrier.arrive $0xFFFF;
	s2 =	simm.s32 @!p0 $0x1C02  }
0x45: {  	[timem:s3], [sflag:s2] =	dma.local @!p0 [hbm:s0], s1  }
0x46: {  	s0 =	simm.s32 @!p0 $0x2  }
0x47: {  	_ =	swait.ge @!p0 [sflag:s0], s1  }
0x48: {  	s1 =	ssub.s32 @!p0 $0x0, s1;
	[sflag:s0] =	ssyncset.done @!p0 $0x0  }
0x49: {  	[sflag:s0] =	ssyncadd.s32 @!p0 s1  }
0x4a: {  	[bflag:$0x3] =	sbarrier.arrive $0xFFFF  }
0x4b: {  	_ =	shalt  }

</sc_bundles>
